<compile_context>
chip_gen: v7x
topology: tpu7x:2x2x1
jax: 0.10.2.dev20260603
libtpu: 0.0.44.dev20260713+nightly
codegen_flags: <defaults>
</compile_context>

<pallas_src>
import jax
import jax.numpy as jnp
from jax import lax
from jax.experimental import pallas as pl
from jax.experimental.pallas import tpu as pltpu
from jax.experimental.pallas import tpu_sc as plsc

B = 64
D_MODEL = 1024
D_FF = 2048
E = 16
BF = 1024
NF = D_FF // BF

NC = 2
NS = 16
NW = NC * NS
TPW = B // NW


def _logits_body(x_ref, rw_ref, out_ref):
    out_ref[...] = lax.dot_general(
        x_ref[:, 0, :], rw_ref[...], (((1,), (1,)), ((), ())),
        preferred_element_type=jnp.float32,
        precision=lax.Precision.HIGHEST)


def _route_sc_body(logits_hbm, coeff_hbm, imp_hbm, load_hbm,
                   lg_v, cf_v, st_v, sem):
    wid = lax.axis_index("s") * NC + lax.axis_index("c")
    base = wid * TPW
    pltpu.sync_copy(logits_hbm.at[pl.ds(base, TPW)], lg_v)
    iota = lax.broadcasted_iota(jnp.int32, (E,), 0)
    imp = jnp.zeros((E,), jnp.float32)
    ld = jnp.zeros((E,), jnp.float32)
    for t in range(TPW):
        row = lg_v[t, :]
        m = jnp.max(row)
        p = jnp.exp(row - m)
        p = p / jnp.sum(p)
        m1 = jnp.max(p)
        i1 = jnp.min(jnp.where(p == m1, iota, E))
        oneh1 = iota == i1
        p2 = jnp.where(oneh1, -jnp.inf, p)
        m2 = jnp.max(p2)
        i2 = jnp.min(jnp.where(p2 == m2, iota, E))
        oneh2 = iota == i2
        s = m1 + m2
        top2 = jnp.where(oneh1, m1, 0.0) + jnp.where(oneh2, m2, 0.0)
        cf_v[t, :] = top2 / s
        imp = imp + p
        ld = ld + oneh1.astype(jnp.float32)
    st_v[0, :] = imp
    st_v[1, :] = ld
    c1 = pltpu.async_copy(cf_v, coeff_hbm.at[pl.ds(base, TPW)], sem)
    c2 = pltpu.async_copy(st_v.at[pl.ds(0, 1)],
                          imp_hbm.at[pl.ds(wid, 1)], sem)
    c3 = pltpu.async_copy(st_v.at[pl.ds(1, 1)],
                          load_hbm.at[pl.ds(wid, 1)], sem)
    c1.wait()
    c2.wait()
    c3.wait()


def _ffn_body(x_ref, coeff_ref, imp_ref, load_ref,
              w1_ref, w3_ref, w2_ref, out_ref, aux_ref,
              xs_ref, acc_ref):
    e = pl.program_id(0)
    f = pl.program_id(1)

    @pl.when((e == 0) & (f == 0))
    def _first():
        xs_ref[...] = x_ref[:, 0, :]
        imp = jnp.sum(imp_ref[...], axis=0) / B
        ld = jnp.sum(load_ref[...], axis=0) / B
        aux_ref[0] = E * jnp.sum(imp * ld)
        acc_ref[...] = jnp.zeros_like(acc_ref)

    x = xs_ref[...]
    g = jnp.dot(x, w1_ref[0], preferred_element_type=jnp.float32)
    u = jnp.dot(x, w3_ref[0], preferred_element_type=jnp.float32)
    h = (g * jax.nn.sigmoid(g)) * u
    iota = lax.broadcasted_iota(jnp.int32, (B, E), 1)
    ce = jnp.sum(jnp.where(iota == e, coeff_ref[...], 0.0), axis=1,
                 keepdims=True)
    acc_ref[...] += jnp.dot(h * ce, w2_ref[0],
                            preferred_element_type=jnp.float32)

    @pl.when((e == E - 1) & (f == NF - 1))
    def _last():
        out_ref[:, 0, :] = acc_ref[...]


def kernel(x, router_w, w1, w2, w3):
    b, s, d = x.shape

    logits = pl.pallas_call(
        _logits_body,
        in_specs=[pl.BlockSpec((B, 1, D_MODEL), lambda: (0, 0, 0)),
                  pl.BlockSpec((E, D_MODEL), lambda: (0, 0))],
        out_specs=pl.BlockSpec((B, E), lambda: (0, 0)),
        out_shape=jax.ShapeDtypeStruct((B, E), jnp.float32),
        compiler_params=pltpu.CompilerParams(skip_device_barrier=True),
    )(x, router_w)

    route = pl.kernel(
        _route_sc_body,
        out_type=[
            jax.ShapeDtypeStruct((B, E), jnp.float32),
            jax.ShapeDtypeStruct((NW, E), jnp.float32),
            jax.ShapeDtypeStruct((NW, E), jnp.float32),
        ],
        scratch_types=[
            pltpu.VMEM((TPW, E), jnp.float32),
            pltpu.VMEM((TPW, E), jnp.float32),
            pltpu.VMEM((2, E), jnp.float32),
            pltpu.SemaphoreType.DMA,
        ],
        mesh=plsc.VectorSubcoreMesh(core_axis_name="c",
                                    subcore_axis_name="s"),
        compiler_params=pltpu.CompilerParams(needs_layout_passes=False,
                                             skip_device_barrier=True),
    )
    coeff, imp, load = route(logits)

    out, aux = pl.pallas_call(
        _ffn_body,
        grid=(E, NF),
        in_specs=[
            pl.BlockSpec((B, 1, D_MODEL), lambda e, f: (0, 0, 0)),
            pl.BlockSpec((B, E), lambda e, f: (0, 0)),
            pl.BlockSpec((NW, E), lambda e, f: (0, 0)),
            pl.BlockSpec((NW, E), lambda e, f: (0, 0)),
            pl.BlockSpec((1, D_MODEL, BF), lambda e, f: (e, 0, f)),
            pl.BlockSpec((1, D_MODEL, BF), lambda e, f: (e, 0, f)),
            pl.BlockSpec((1, BF, D_MODEL), lambda e, f: (e, f, 0)),
        ],
        out_specs=[
            pl.BlockSpec((B, 1, D_MODEL), lambda e, f: (0, 0, 0)),
            pl.BlockSpec(memory_space=pltpu.SMEM, block_shape=(1,),
                         index_map=lambda e, f: (0,)),
        ],
        out_shape=[
            jax.ShapeDtypeStruct((B, 1, D_MODEL), jnp.float32),
            jax.ShapeDtypeStruct((1,), jnp.float32),
        ],
        scratch_shapes=[pltpu.VMEM((B, D_MODEL), jnp.float32),
                        pltpu.VMEM((B, D_MODEL), jnp.float32)],
        compiler_params=pltpu.CompilerParams(skip_device_barrier=True),
    )(x, coeff, imp, load, w1, w3, w2)
    return out, aux[0]

# --- scband reference (transcript-rebuilt; emitter-appended) ---
"""Pipeline reference for scband-spaghetti-of-experts-55482387529859 (READ-ONLY COPY).

The authoritative reference and input builder live on the scoring server;
editing this copy changes nothing except your own understanding.
"""

import jax, jax.numpy as jnp
import numpy as np

B = 64
S = 1
D_MODEL = 1024
D_FF = 2048
E = 16
K = 2


def setup_inputs(seed: int = 0) -> dict:
    key = jax.random.key(seed)
    ks = jax.random.split(key, 5)
    x = jax.random.normal(ks[0], (B, S, D_MODEL), dtype=jnp.float32)
    router_w = jax.random.normal(ks[1], (E, D_MODEL), dtype=jnp.float32) * 0.02
    w1 = jax.random.normal(ks[2], (E, D_MODEL, D_FF), dtype=jnp.float32) * 0.02
    w2 = jax.random.normal(ks[3], (E, D_FF, D_MODEL), dtype=jnp.float32) * 0.02
    w3 = jax.random.normal(ks[4], (E, D_MODEL, D_FF), dtype=jnp.float32) * 0.02
    return {"x": x, "router_w": router_w, "w1": w1, "w2": w2, "w3": w3}


def reference(x, router_w, w1, w2, w3):
    b, s, d = x.shape
    x_flat = x.reshape(-1, d)
    n_tokens = x_flat.shape[0]
    n_experts = w1.shape[0]
    # router (nn.Linear, no bias): logits = x @ W^T
    router_logits = x_flat @ router_w.T
    routing_weights = jax.nn.softmax(router_logits.astype(jnp.float32), axis=-1)
    topk_weights, topk_indices = jax.lax.top_k(routing_weights, K)
    topk_weights = topk_weights / topk_weights.sum(axis=-1, keepdims=True)
    # dense combine coefficients: coeff[t, e] = normalized gate if e in top-k(t) else 0
    # (mathematically identical to the sort/gather/index_add_ loop in torch)
    rows = jnp.arange(n_tokens)[:, None]
    coeff = jnp.zeros((n_tokens, n_experts), dtype=jnp.float32).at[rows, topk_indices].set(topk_weights)
    # SwiGLU expert FFNs
    gate = jax.nn.silu(jnp.einsum('td,edf->tef', x_flat, w1))
    up = jnp.einsum('td,edf->tef', x_flat, w3)
    expert_out = jnp.einsum('tef,efd->ted', gate * up, w2)
    outputs = (coeff[:, :, None] * expert_out).sum(axis=1)
    # switch-style aux loss
    router_probs = jax.nn.softmax(router_logits, axis=-1)
    importance = router_probs.mean(axis=0)
    top1 = topk_indices[:, 0]
    load = jnp.bincount(top1, length=n_experts).astype(jnp.float32) / n_tokens
    aux_loss = n_experts * (importance * load).sum()
    return outputs.reshape(b, s, d), aux_loss

if __name__ == "__main__":
    import jax
    _d = setup_inputs()
    print(jax.jit(kernel)(*tuple(_d.values())))

</pallas_src>

<mosaic_0001>
#map = affine_map<(d0, d1) -> (0, 0)>
module attributes {stable_mosaic.version = 14 : i64} {
  func.func @_route_sc_body(%arg0: i32, %arg1: i32, %arg2: memref<64x16xf32, #tpu.memory_space<hbm>>, %arg3: memref<64x16xf32, #tpu.memory_space<hbm>>, %arg4: memref<32x16xf32, #tpu.memory_space<hbm>>, %arg5: memref<32x16xf32, #tpu.memory_space<hbm>>, %arg6: memref<2x16xf32, #tpu.memory_space<vmem>>, %arg7: memref<2x16xf32, #tpu.memory_space<vmem>>, %arg8: memref<2x16xf32, #tpu.memory_space<vmem>>, %arg9: memref<!tpu.dma_semaphore, #tpu.memory_space<semaphore_mem>>) attributes {dimension_semantics = [#tpu.dimension_semantics<core_parallel>, #tpu.dimension_semantics<subcore_parallel>], iteration_bounds = array<i64: 2, 16>, scalar_prefetch = 0 : i64, scratch_operands = 4 : i64, tpu.core_type = #tpu.core_type<sc_vector_subcore>, window_params = [{transform_indices = #map}, {transform_indices = #map}, {transform_indices = #map}, {transform_indices = #map}]} {
    %mul3A = arith.constant 2 : i32
    %mul3A_0 = arith.muli %arg1, %mul3A : i32
    %add3A = arith.addi %mul3A_0, %arg0 : i32
    %mul3A_1 = arith.constant 2 : i32
    %mul3A_2 = arith.muli %add3A, %mul3A_1 : i32
    "tpu.region"() ({
      %run_scoped3A = tpu.sem_alloc : memref<!tpu.dma_semaphore, #tpu.memory_space<semaphore_mem>>
      %dma_start3A_204 = arith.constant 0 : i32
      %dma_start3A_205 = tpu.memref_slice %arg2[%mul3A_2, %dma_start3A_204] : memref<64x16xf32, #tpu.memory_space<hbm>> -> memref<2x16xf32, #tpu.memory_space<hbm>>
      %dma_start3A_206 = arith.constant 0 : i32
      %dma_start3A_207 = tpu.memref_slice %arg2[%mul3A_2, %dma_start3A_206] : memref<64x16xf32, #tpu.memory_space<hbm>> -> memref<2x16xf32, #tpu.memory_space<hbm>>
      tpu.enqueue_dma source(%dma_start3A_207 : memref<2x16xf32, #tpu.memory_space<hbm>>) target(%arg6 : memref<2x16xf32, #tpu.memory_space<vmem>>) target_semaphore(%run_scoped3A : memref<!tpu.dma_semaphore, #tpu.memory_space<semaphore_mem>>)
      %dma_wait3A_208 = arith.constant 0 : i32
      %dma_wait3A_209 = tpu.memref_slice %arg2[%mul3A_2, %dma_wait3A_208] : memref<64x16xf32, #tpu.memory_space<hbm>> -> memref<2x16xf32, #tpu.memory_space<hbm>>
      %dma_wait3A_210 = arith.constant 0 : i32
      %dma_wait3A_211 = tpu.memref_slice %arg2[%mul3A_2, %dma_wait3A_210] : memref<64x16xf32, #tpu.memory_space<hbm>> -> memref<2x16xf32, #tpu.memory_space<hbm>>
      tpu.wait_dma2 semaphore(%run_scoped3A : memref<!tpu.dma_semaphore, #tpu.memory_space<semaphore_mem>>) src(%dma_wait3A_211 : memref<2x16xf32, #tpu.memory_space<hbm>>) dst(%arg6 : memref<2x16xf32, #tpu.memory_space<vmem>>)
      tpu.yield
    }) : () -> ()
    %iota3A = tpu.iota {dimensions = array<i32: 0>} : vector<16xi32>
    %broadcast_in_dim3A = arith.constant 0.000000e+00 : f32
    %broadcast_in_dim3A_3 = vector.broadcast %broadcast_in_dim3A : f32 to vector<16xf32>
    %broadcast_in_dim3A_4 = arith.constant 0.000000e+00 : f32
    %broadcast_in_dim3A_5 = vector.broadcast %broadcast_in_dim3A_4 : f32 to vector<16xf32>
    %get3A = arith.constant 0 : i32
    %get3A_6 = arith.index_cast %get3A : i32 to index
    %get3A_7 = arith.constant 0 : index
    %get3A_8 = tpu.vector_load %arg6[%get3A_6, %get3A_7] {strides = array<i32>} : memref<2x16xf32, #tpu.memory_space<vmem>>, vector<16xf32>,
    %reduce_max3A = arith.constant true
    %reduce_max3A_9 = vector.broadcast %reduce_max3A : i1 to vector<16xi1>
    %reduce_max3A_10 = tpu.scan <max>, %get3A_8 masked %reduce_max3A_9 : vector<16xf32>, vector<16xi1> -> vector<16xf32>
    %reduce_max3A_11 = vector.extract %reduce_max3A_10[15] : f32 from vector<16xf32>
    %sub3A = vector.broadcast %reduce_max3A_11 : f32 to vector<16xf32>
    %sub3A_12 = arith.subf %get3A_8, %sub3A : vector<16xf32>
    %exp3A = math.exp %sub3A_12 : vector<16xf32>
    %reduce_sum3A = arith.constant true
    %reduce_sum3A_13 = vector.broadcast %reduce_sum3A : i1 to vector<16xi1>
    %reduce_sum3A_14 = tpu.scan <sum>, %exp3A masked %reduce_sum3A_13 : vector<16xf32>, vector<16xi1> -> vector<16xf32>
    %reduce_sum3A_15 = vector.extract %reduce_sum3A_14[15] : f32 from vector<16xf32>
    %div3A = vector.broadcast %reduce_sum3A_15 : f32 to vector<16xf32>
    %div3A_16 = arith.divf %exp3A, %div3A : vector<16xf32>
    %reduce_max3A_17 = arith.constant true
    %reduce_max3A_18 = vector.broadcast %reduce_max3A_17 : i1 to vector<16xi1>
    %reduce_max3A_19 = tpu.scan <max>, %div3A_16 masked %reduce_max3A_18 : vector<16xf32>, vector<16xi1> -> vector<16xf32>
    %reduce_max3A_20 = vector.extract %reduce_max3A_19[15] : f32 from vector<16xf32>
    %eq3A = vector.broadcast %reduce_max3A_20 : f32 to vector<16xf32>
    %eq3A_21 = arith.cmpf oeq, %div3A_16, %eq3A : vector<16xf32>
    %jit3A = arith.constant 16 : i32
    %broadcast_in_dim3A_22 = vector.broadcast %jit3A : i32 to vector<16xi32>
    %select_n3A = arith.select %eq3A_21, %iota3A, %broadcast_in_dim3A_22 : vector<16xi1>, vector<16xi32>
    %reduce_min3A = arith.constant true
    %reduce_min3A_23 = vector.broadcast %reduce_min3A : i1 to vector<16xi1>
    %reduce_min3A_24 = arith.constant -2147483648 : i32
    %reduce_min3A_25 = vector.broadcast %reduce_min3A_24 : i32 to vector<16xi32>
    %reduce_min3A_26 = arith.xori %select_n3A, %reduce_min3A_25 : vector<16xi32>
    %reduce_min3A_27 = tpu.scan <min>, %reduce_min3A_26 masked %reduce_min3A_23 : vector<16xi32>, vector<16xi1> -> vector<16xi32>
    %reduce_min3A_28 = arith.xori %reduce_min3A_27, %reduce_min3A_25 : vector<16xi32>
    %reduce_min3A_29 = vector.extract %reduce_min3A_28[15] : i32 from vector<16xi32>
    %eq3A_30 = vector.broadcast %reduce_min3A_29 : i32 to vector<16xi32>
    %eq3A_31 = arith.cmpi eq, %iota3A, %eq3A_30 : vector<16xi32>
    %jit3A_32 = arith.constant 0xFF800000 : f32
    %broadcast_in_dim3A_33 = vector.broadcast %jit3A_32 : f32 to vector<16xf32>
    %select_n3A_34 = arith.select %eq3A_31, %broadcast_in_dim3A_33, %div3A_16 : vector<16xi1>, vector<16xf32>
    %reduce_max3A_35 = arith.constant true
    %reduce_max3A_36 = vector.broadcast %reduce_max3A_35 : i1 to vector<16xi1>
    %reduce_max3A_37 = tpu.scan <max>, %select_n3A_34 masked %reduce_max3A_36 : vector<16xf32>, vector<16xi1> -> vector<16xf32>
    %reduce_max3A_38 = vector.extract %reduce_max3A_37[15] : f32 from vector<16xf32>
    %eq3A_39 = vector.broadcast %reduce_max3A_38 : f32 to vector<16xf32>
    %eq3A_40 = arith.cmpf oeq, %select_n3A_34, %eq3A_39 : vector<16xf32>
    %jit3A_41 = arith.constant 16 : i32
    %broadcast_in_dim3A_42 = vector.broadcast %jit3A_41 : i32 to vector<16xi32>
    %select_n3A_43 = arith.select %eq3A_40, %iota3A, %broadcast_in_dim3A_42 : vector<16xi1>, vector<16xi32>
    %reduce_min3A_44 = arith.constant true
    %reduce_min3A_45 = vector.broadcast %reduce_min3A_44 : i1 to vector<16xi1>
    %reduce_min3A_46 = arith.constant -2147483648 : i32
    %reduce_min3A_47 = vector.broadcast %reduce_min3A_46 : i32 to vector<16xi32>
    %reduce_min3A_48 = arith.xori %select_n3A_43, %reduce_min3A_47 : vector<16xi32>
    %reduce_min3A_49 = tpu.scan <min>, %reduce_min3A_48 masked %reduce_min3A_45 : vector<16xi32>, vector<16xi1> -> vector<16xi32>
    %reduce_min3A_50 = arith.xori %reduce_min3A_49, %reduce_min3A_47 : vector<16xi32>
    %reduce_min3A_51 = vector.extract %reduce_min3A_50[15] : i32 from vector<16xi32>
    %eq3A_52 = vector.broadcast %reduce_min3A_51 : i32 to vector<16xi32>
    %eq3A_53 = arith.cmpi eq, %iota3A, %eq3A_52 : vector<16xi32>
    %add3A_54 = arith.addf %reduce_max3A_20, %reduce_max3A_38 : f32
    %jit3A_55 = arith.constant 0.000000e+00 : f32
    %broadcast_in_dim3A_56 = vector.broadcast %reduce_max3A_20 : f32 to vector<16xf32>
    %broadcast_in_dim3A_57 = vector.broadcast %jit3A_55 : f32 to vector<16xf32>
    %select_n3A_58 = arith.select %eq3A_31, %broadcast_in_dim3A_56, %broadcast_in_dim3A_57 : vector<16xi1>, vector<16xf32>
    %jit3A_59 = arith.constant 0.000000e+00 : f32
    %broadcast_in_dim3A_60 = vector.broadcast %reduce_max3A_38 : f32 to vector<16xf32>
    %broadcast_in_dim3A_61 = vector.broadcast %jit3A_59 : f32 to vector<16xf32>
    %select_n3A_62 = arith.select %eq3A_53, %broadcast_in_dim3A_60, %broadcast_in_dim3A_61 : vector<16xi1>, vector<16xf32>
    %add3A_63 = arith.addf %select_n3A_58, %select_n3A_62 : vector<16xf32>
    %div3A_64 = vector.broadcast %add3A_54 : f32 to vector<16xf32>
    %div3A_65 = arith.divf %add3A_63, %div3A_64 : vector<16xf32>
    %swap3A = arith.constant 0 : i32
    %swap3A_66 = arith.index_cast %swap3A : i32 to index
    %swap3A_67 = arith.constant 0 : index
    %swap3A_68 = tpu.vector_load %arg7[%swap3A_66, %swap3A_67] {strides = array<i32>} : memref<2x16xf32, #tpu.memory_space<vmem>>, vector<16xf32>,
    tpu.vector_store %arg7[%swap3A_66, %swap3A_67], %div3A_65 {strides = array<i32>} : memref<2x16xf32, #tpu.memory_space<vmem>>, vector<16xf32>,
    %add3A_69 = arith.addf %broadcast_in_dim3A_3, %div3A_16 : vector<16xf32>
    %convert_element_type3A = arith.extui %eq3A_31 : vector<16xi1> to vector<16xi32>
    %convert_element_type3A_70 = arith.sitofp %convert_element_type3A : vector<16xi32> to vector<16xf32>
    %add3A_71 = arith.addf %broadcast_in_dim3A_5, %convert_element_type3A_70 : vector<16xf32>
    %get3A_72 = arith.constant 1 : i32
    %get3A_73 = arith.index_cast %get3A_72 : i32 to index
    %get3A_74 = arith.constant 0 : index
    %get3A_75 = tpu.vector_load %arg6[%get3A_73, %get3A_74] {strides = array<i32>} : memref<2x16xf32, #tpu.memory_space<vmem>>, vector<16xf32>,
    %reduce_max3A_76 = arith.constant true
    %reduce_max3A_77 = vector.broadcast %reduce_max3A_76 : i1 to vector<16xi1>
    %reduce_max3A_78 = tpu.scan <max>, %get3A_75 masked %reduce_max3A_77 : vector<16xf32>, vector<16xi1> -> vector<16xf32>
    %reduce_max3A_79 = vector.extract %reduce_max3A_78[15] : f32 from vector<16xf32>
    %sub3A_80 = vector.broadcast %reduce_max3A_79 : f32 to vector<16xf32>
    %sub3A_81 = arith.subf %get3A_75, %sub3A_80 : vector<16xf32>
    %exp3A_82 = math.exp %sub3A_81 : vector<16xf32>
    %reduce_sum3A_83 = arith.constant true
    %reduce_sum3A_84 = vector.broadcast %reduce_sum3A_83 : i1 to vector<16xi1>
    %reduce_sum3A_85 = tpu.scan <sum>, %exp3A_82 masked %reduce_sum3A_84 : vector<16xf32>, vector<16xi1> -> vector<16xf32>
    %reduce_sum3A_86 = vector.extract %reduce_sum3A_85[15] : f32 from vector<16xf32>
    %div3A_87 = vector.broadcast %reduce_sum3A_86 : f32 to vector<16xf32>
    %div3A_88 = arith.divf %exp3A_82, %div3A_87 : vector<16xf32>
    %reduce_max3A_89 = arith.constant true
    %reduce_max3A_90 = vector.broadcast %reduce_max3A_89 : i1 to vector<16xi1>
    %reduce_max3A_91 = tpu.scan <max>, %div3A_88 masked %reduce_max3A_90 : vector<16xf32>, vector<16xi1> -> vector<16xf32>
    %reduce_max3A_92 = vector.extract %reduce_max3A_91[15] : f32 from vector<16xf32>
    %eq3A_93 = vector.broadcast %reduce_max3A_92 : f32 to vector<16xf32>
    %eq3A_94 = arith.cmpf oeq, %div3A_88, %eq3A_93 : vector<16xf32>
    %jit3A_95 = arith.constant 16 : i32
    %broadcast_in_dim3A_96 = vector.broadcast %jit3A_95 : i32 to vector<16xi32>
    %select_n3A_97 = arith.select %eq3A_94, %iota3A, %broadcast_in_dim3A_96 : vector<16xi1>, vector<16xi32>
    %reduce_min3A_98 = arith.constant true
    %reduce_min3A_99 = vector.broadcast %reduce_min3A_98 : i1 to vector<16xi1>
    %reduce_min3A_100 = arith.constant -2147483648 : i32
    %reduce_min3A_101 = vector.broadcast %reduce_min3A_100 : i32 to vector<16xi32>
    %reduce_min3A_102 = arith.xori %select_n3A_97, %reduce_min3A_101 : vector<16xi32>
    %reduce_min3A_103 = tpu.scan <min>, %reduce_min3A_102 masked %reduce_min3A_99 : vector<16xi32>, vector<16xi1> -> vector<16xi32>
    %reduce_min3A_104 = arith.xori %reduce_min3A_103, %reduce_min3A_101 : vector<16xi32>
    %reduce_min3A_105 = vector.extract %reduce_min3A_104[15] : i32 from vector<16xi32>
    %eq3A_106 = vector.broadcast %reduce_min3A_105 : i32 to vector<16xi32>
    %eq3A_107 = arith.cmpi eq, %iota3A, %eq3A_106 : vector<16xi32>
    %jit3A_108 = arith.constant 0xFF800000 : f32
    %broadcast_in_dim3A_109 = vector.broadcast %jit3A_108 : f32 to vector<16xf32>
    %select_n3A_110 = arith.select %eq3A_107, %broadcast_in_dim3A_109, %div3A_88 : vector<16xi1>, vector<16xf32>
    %reduce_max3A_111 = arith.constant true
    %reduce_max3A_112 = vector.broadcast %reduce_max3A_111 : i1 to vector<16xi1>
    %reduce_max3A_113 = tpu.scan <max>, %select_n3A_110 masked %reduce_max3A_112 : vector<16xf32>, vector<16xi1> -> vector<16xf32>
    %reduce_max3A_114 = vector.extract %reduce_max3A_113[15] : f32 from vector<16xf32>
    %eq3A_115 = vector.broadcast %reduce_max3A_114 : f32 to vector<16xf32>
    %eq3A_116 = arith.cmpf oeq, %select_n3A_110, %eq3A_115 : vector<16xf32>
    %jit3A_117 = arith.constant 16 : i32
    %broadcast_in_dim3A_118 = vector.broadcast %jit3A_117 : i32 to vector<16xi32>
    %select_n3A_119 = arith.select %eq3A_116, %iota3A, %broadcast_in_dim3A_118 : vector<16xi1>, vector<16xi32>
    %reduce_min3A_120 = arith.constant true
    %reduce_min3A_121 = vector.broadcast %reduce_min3A_120 : i1 to vector<16xi1>
    %reduce_min3A_122 = arith.constant -2147483648 : i32
    %reduce_min3A_123 = vector.broadcast %reduce_min3A_122 : i32 to vector<16xi32>
    %reduce_min3A_124 = arith.xori %select_n3A_119, %reduce_min3A_123 : vector<16xi32>
    %reduce_min3A_125 = tpu.scan <min>, %reduce_min3A_124 masked %reduce_min3A_121 : vector<16xi32>, vector<16xi1> -> vector<16xi32>
    %reduce_min3A_126 = arith.xori %reduce_min3A_125, %reduce_min3A_123 : vector<16xi32>
    %reduce_min3A_127 = vector.extract %reduce_min3A_126[15] : i32 from vector<16xi32>
    %eq3A_128 = vector.broadcast %reduce_min3A_127 : i32 to vector<16xi32>
    %eq3A_129 = arith.cmpi eq, %iota3A, %eq3A_128 : vector<16xi32>
    %add3A_130 = arith.addf %reduce_max3A_92, %reduce_max3A_114 : f32
    %jit3A_131 = arith.constant 0.000000e+00 : f32
    %broadcast_in_dim3A_132 = vector.broadcast %reduce_max3A_92 : f32 to vector<16xf32>
    %broadcast_in_dim3A_133 = vector.broadcast %jit3A_131 : f32 to vector<16xf32>
    %select_n3A_134 = arith.select %eq3A_107, %broadcast_in_dim3A_132, %broadcast_in_dim3A_133 : vector<16xi1>, vector<16xf32>
    %jit3A_135 = arith.constant 0.000000e+00 : f32
    %broadcast_in_dim3A_136 = vector.broadcast %reduce_max3A_114 : f32 to vector<16xf32>
    %broadcast_in_dim3A_137 = vector.broadcast %jit3A_135 : f32 to vector<16xf32>
    %select_n3A_138 = arith.select %eq3A_129, %broadcast_in_dim3A_136, %broadcast_in_dim3A_137 : vector<16xi1>, vector<16xf32>
    %add3A_139 = arith.addf %select_n3A_134, %select_n3A_138 : vector<16xf32>
    %div3A_140 = vector.broadcast %add3A_130 : f32 to vector<16xf32>
    %div3A_141 = arith.divf %add3A_139, %div3A_140 : vector<16xf32>
    %swap3A_142 = arith.constant 1 : i32
    %swap3A_143 = arith.index_cast %swap3A_142 : i32 to index
    %swap3A_144 = arith.constant 0 : index
    %swap3A_145 = tpu.vector_load %arg7[%swap3A_143, %swap3A_144] {strides = array<i32>} : memref<2x16xf32, #tpu.memory_space<vmem>>, vector<16xf32>,
    tpu.vector_store %arg7[%swap3A_143, %swap3A_144], %div3A_141 {strides = array<i32>} : memref<2x16xf32, #tpu.memory_space<vmem>>, vector<16xf32>,
    %add3A_146 = arith.addf %add3A_69, %div3A_88 : vector<16xf32>
    %convert_element_type3A_147 = arith.extui %eq3A_107 : vector<16xi1> to vector<16xi32>
    %convert_element_type3A_148 = arith.sitofp %convert_element_type3A_147 : vector<16xi32> to vector<16xf32>
    %add3A_149 = arith.addf %add3A_71, %convert_element_type3A_148 : vector<16xf32>
    %swap3A_150 = arith.constant 0 : i32
    %swap3A_151 = arith.index_cast %swap3A_150 : i32 to index
    %swap3A_152 = arith.constant 0 : index
    %swap3A_153 = tpu.vector_load %arg8[%swap3A_151, %swap3A_152] {strides = array<i32>} : memref<2x16xf32, #tpu.memory_space<vmem>>, vector<16xf32>,
    tpu.vector_store %arg8[%swap3A_151, %swap3A_152], %add3A_146 {strides = array<i32>} : memref<2x16xf32, #tpu.memory_space<vmem>>, vector<16xf32>,
    %swap3A_154 = arith.constant 1 : i32
    %swap3A_155 = arith.index_cast %swap3A_154 : i32 to index
    %swap3A_156 = arith.constant 0 : index
    %swap3A_157 = tpu.vector_load %arg8[%swap3A_155, %swap3A_156] {strides = array<i32>} : memref<2x16xf32, #tpu.memory_space<vmem>>, vector<16xf32>,
    tpu.vector_store %arg8[%swap3A_155, %swap3A_156], %add3A_149 {strides = array<i32>} : memref<2x16xf32, #tpu.memory_space<vmem>>, vector<16xf32>,
    %dma_start3A = arith.constant 0 : i32
    %dma_start3A_158 = tpu.memref_slice %arg3[%mul3A_2, %dma_start3A] : memref<64x16xf32, #tpu.memory_space<hbm>> -> memref<2x16xf32, #tpu.memory_space<hbm>>
    %dma_start3A_159 = arith.constant 0 : i32
    %dma_start3A_160 = tpu.memref_slice %arg3[%mul3A_2, %dma_start3A_159] : memref<64x16xf32, #tpu.memory_space<hbm>> -> memref<2x16xf32, #tpu.memory_space<hbm>>
    tpu.enqueue_dma source(%arg7 : memref<2x16xf32, #tpu.memory_space<vmem>>) target(%dma_start3A_160 : memref<2x16xf32, #tpu.memory_space<hbm>>) target_semaphore(%arg9 : memref<!tpu.dma_semaphore, #tpu.memory_space<semaphore_mem>>)
    %dma_start3A_161 = arith.constant 0 : i32
    %dma_start3A_162 = arith.constant 0 : i32
    %dma_start3A_163 = tpu.memref_slice %arg8[%dma_start3A_161, %dma_start3A_162] : memref<2x16xf32, #tpu.memory_space<vmem>> -> memref<1x16xf32, #tpu.memory_space<vmem>>
    %dma_start3A_164 = arith.constant 0 : i32
    %dma_start3A_165 = tpu.memref_slice %arg4[%add3A, %dma_start3A_164] : memref<32x16xf32, #tpu.memory_space<hbm>> -> memref<1x16xf32, #tpu.memory_space<hbm>>
    %dma_start3A_166 = arith.constant 0 : i32
    %dma_start3A_167 = tpu.memref_slice %arg4[%add3A, %dma_start3A_166] : memref<32x16xf32, #tpu.memory_space<hbm>> -> memref<1x16xf32, #tpu.memory_space<hbm>>
    %dma_start3A_168 = arith.constant 0 : i32
    %dma_start3A_169 = arith.constant 0 : i32
    %dma_start3A_170 = tpu.memref_slice %arg8[%dma_start3A_168, %dma_start3A_169] : memref<2x16xf32, #tpu.memory_space<vmem>> -> memref<1x16xf32, #tpu.memory_space<vmem>>
    tpu.enqueue_dma source(%dma_start3A_170 : memref<1x16xf32, #tpu.memory_space<vmem>>) target(%dma_start3A_167 : memref<1x16xf32, #tpu.memory_space<hbm>>) target_semaphore(%arg9 : memref<!tpu.dma_semaphore, #tpu.memory_space<semaphore_mem>>)
    %dma_start3A_171 = arith.constant 1 : i32
    %dma_start3A_172 = arith.constant 0 : i32
    %dma_start3A_173 = tpu.memref_slice %arg8[%dma_start3A_171, %dma_start3A_172] : memref<2x16xf32, #tpu.memory_space<vmem>> -> memref<1x16xf32, #tpu.memory_space<vmem>>
    %dma_start3A_174 = arith.constant 0 : i32
    %dma_start3A_175 = tpu.memref_slice %arg5[%add3A, %dma_start3A_174] : memref<32x16xf32, #tpu.memory_space<hbm>> -> memref<1x16xf32, #tpu.memory_space<hbm>>
    %dma_start3A_176 = arith.constant 0 : i32
    %dma_start3A_177 = tpu.memref_slice %arg5[%add3A, %dma_start3A_176] : memref<32x16xf32, #tpu.memory_space<hbm>> -> memref<1x16xf32, #tpu.memory_space<hbm>>
    %dma_start3A_178 = arith.constant 1 : i32
    %dma_start3A_179 = arith.constant 0 : i32
    %dma_start3A_180 = tpu.memref_slice %arg8[%dma_start3A_178, %dma_start3A_179] : memref<2x16xf32, #tpu.memory_space<vmem>> -> memref<1x16xf32, #tpu.memory_space<vmem>>
    tpu.enqueue_dma source(%dma_start3A_180 : memref<1x16xf32, #tpu.memory_space<vmem>>) target(%dma_start3A_177 : memref<1x16xf32, #tpu.memory_space<hbm>>) target_semaphore(%arg9 : memref<!tpu.dma_semaphore, #tpu.memory_space<semaphore_mem>>)
    %dma_wait3A = arith.constant 0 : i32
    %dma_wait3A_181 = tpu.memref_slice %arg3[%mul3A_2, %dma_wait3A] : memref<64x16xf32, #tpu.memory_space<hbm>> -> memref<2x16xf32, #tpu.memory_space<hbm>>
    %dma_wait3A_182 = arith.constant 0 : i32
    %dma_wait3A_183 = tpu.memref_slice %arg3[%mul3A_2, %dma_wait3A_182] : memref<64x16xf32, #tpu.memory_space<hbm>> -> memref<2x16xf32, #tpu.memory_space<hbm>>
    tpu.wait_dma2 semaphore(%arg9 : memref<!tpu.dma_semaphore, #tpu.memory_space<semaphore_mem>>) src(%arg7 : memref<2x16xf32, #tpu.memory_space<vmem>>) dst(%dma_wait3A_183 : memref<2x16xf32, #tpu.memory_space<hbm>>)
    %dma_wait3A_184 = arith.constant 0 : i32
    %dma_wait3A_185 = arith.constant 0 : i32
    %dma_wait3A_186 = tpu.memref_slice %arg8[%dma_wait3A_184, %dma_wait3A_185] : memref<2x16xf32, #tpu.memory_space<vmem>> -> memref<1x16xf32, #tpu.memory_space<vmem>>
    %dma_wait3A_187 = arith.constant 0 : i32
    %dma_wait3A_188 = tpu.memref_slice %arg4[%add3A, %dma_wait3A_187] : memref<32x16xf32, #tpu.memory_space<hbm>> -> memref<1x16xf32, #tpu.memory_space<hbm>>
    %dma_wait3A_189 = arith.constant 0 : i32
    %dma_wait3A_190 = tpu.memref_slice %arg4[%add3A, %dma_wait3A_189] : memref<32x16xf32, #tpu.memory_space<hbm>> -> memref<1x16xf32, #tpu.memory_space<hbm>>
    %dma_wait3A_191 = arith.constant 0 : i32
    %dma_wait3A_192 = arith.constant 0 : i32
    %dma_wait3A_193 = tpu.memref_slice %arg8[%dma_wait3A_191, %dma_wait3A_192] : memref<2x16xf32, #tpu.memory_space<vmem>> -> memref<1x16xf32, #tpu.memory_space<vmem>>
    tpu.wait_dma2 semaphore(%arg9 : memref<!tpu.dma_semaphore, #tpu.memory_space<semaphore_mem>>) src(%dma_wait3A_193 : memref<1x16xf32, #tpu.memory_space<vmem>>) dst(%dma_wait3A_190 : memref<1x16xf32, #tpu.memory_space<hbm>>)
    %dma_wait3A_194 = arith.constant 1 : i32
    %dma_wait3A_195 = arith.constant 0 : i32
    %dma_wait3A_196 = tpu.memref_slice %arg8[%dma_wait3A_194, %dma_wait3A_195] : memref<2x16xf32, #tpu.memory_space<vmem>> -> memref<1x16xf32, #tpu.memory_space<vmem>>
    %dma_wait3A_197 = arith.constant 0 : i32
    %dma_wait3A_198 = tpu.memref_slice %arg5[%add3A, %dma_wait3A_197] : memref<32x16xf32, #tpu.memory_space<hbm>> -> memref<1x16xf32, #tpu.memory_space<hbm>>
    %dma_wait3A_199 = arith.constant 0 : i32
    %dma_wait3A_200 = tpu.memref_slice %arg5[%add3A, %dma_wait3A_199] : memref<32x16xf32, #tpu.memory_space<hbm>> -> memref<1x16xf32, #tpu.memory_space<hbm>>
    %dma_wait3A_201 = arith.constant 1 : i32
    %dma_wait3A_202 = arith.constant 0 : i32
    %dma_wait3A_203 = tpu.memref_slice %arg8[%dma_wait3A_201, %dma_wait3A_202] : memref<2x16xf32, #tpu.memory_space<vmem>> -> memref<1x16xf32, #tpu.memory_space<vmem>>
    tpu.wait_dma2 semaphore(%arg9 : memref<!tpu.dma_semaphore, #tpu.memory_space<semaphore_mem>>) src(%dma_wait3A_203 : memref<1x16xf32, #tpu.memory_space<vmem>>) dst(%dma_wait3A_200 : memref<1x16xf32, #tpu.memory_space<hbm>>)
    return
  }
}

module attributes {stable_mosaic.version = 14 : i64} {
  func.func @_logits_body(%arg0: memref<64x1x1024xf32, #tpu.memory_space<vmem>>, %arg1: memref<16x1024xf32, #tpu.memory_space<vmem>>, %arg2: memref<64x16xf32, #tpu.memory_space<vmem>>) attributes {dimension_semantics = [], scalar_prefetch = 0 : i64, scratch_operands = 0 : i64, tpu.core_type = #tpu.core_type<tc>} {
    %get3A = arith.constant 0 : index
    %get3A_0 = arith.constant 0 : index
    %get3A_1 = arith.constant 0 : index
    %get3A_2 = vector.load %arg0[%get3A, %get3A_0, %get3A_1] : memref<64x1x1024xf32, #tpu.memory_space<vmem>>, vector<64x1x1024xf32>
    %get3A_3 = vector.shape_cast %get3A_2 : vector<64x1x1024xf32> to vector<64x1024xf32>
    %get3A_4 = arith.constant 0 : index
    %get3A_5 = arith.constant 0 : index
    %get3A_6 = vector.load %arg1[%get3A_4, %get3A_5] : memref<16x1024xf32, #tpu.memory_space<vmem>>, vector<16x1024xf32>
    %dot_general3A = arith.constant dense<0.000000e+00> : vector<64x16xf32>
    %dot_general3A_7 = tpu.matmul %get3A_3, %get3A_6, %dot_general3A {dimension_numbers = #tpu.dot_dimension_numbers<[1], [1], [0], [0], [0, 0, 1, 0], [], []>, precision = #tpu.contract_precision<fp32>, transpose_lhs_hint = false} : vector<64x1024xf32>, vector<16x1024xf32>, vector<64x16xf32> -> vector<64x16xf32>
    %swap3A = arith.constant 0 : index
    %swap3A_8 = arith.constant 0 : index
    %swap3A_9 = vector.load %arg2[%swap3A, %swap3A_8] : memref<64x16xf32, #tpu.memory_space<vmem>>, vector<64x16xf32>
    tpu.vector_store %arg2[%swap3A, %swap3A_8], %dot_general3A_7 {strides = array<i32>} : memref<64x16xf32, #tpu.memory_space<vmem>>, vector<64x16xf32>,
    return
  }
}

module attributes {stable_mosaic.version = 14 : i64} {
  func.func @_ffn_body(%arg0: i32, %arg1: i32, %arg2: memref<64x1x1024xf32, #tpu.memory_space<vmem>>, %arg3: memref<64x16xf32, #tpu.memory_space<vmem>>, %arg4: memref<32x16xf32, #tpu.memory_space<vmem>>, %arg5: memref<32x16xf32, #tpu.memory_space<vmem>>, %arg6: memref<1x1024x1024xf32, #tpu.memory_space<vmem>>, %arg7: memref<1x1024x1024xf32, #tpu.memory_space<vmem>>, %arg8: memref<1x1024x1024xf32, #tpu.memory_space<vmem>>, %arg9: memref<64x1x1024xf32, #tpu.memory_space<vmem>>, %arg10: memref<1xf32, #tpu.memory_space<smem>>, %arg11: memref<64x1024xf32, #tpu.memory_space<vmem>>, %arg12: memref<64x1024xf32, #tpu.memory_space<vmem>>) attributes {dimension_semantics = [#tpu.dimension_semantics<arbitrary>, #tpu.dimension_semantics<arbitrary>], iteration_bounds = array<i64: 16, 2>, scalar_prefetch = 0 : i64, scratch_operands = 2 : i64, tpu.core_type = #tpu.core_type<tc>, window_params = [{pipeline_mode = #tpu.pipeline_mode<synchronous>, transform_indices = @transform_0, window_bounds = array<i64: 64, 1, 1024>}, {pipeline_mode = #tpu.pipeline_mode<synchronous>, transform_indices = @transform_1, window_bounds = array<i64: 64, 16>}, {pipeline_mode = #tpu.pipeline_mode<synchronous>, transform_indices = @transform_2, window_bounds = array<i64: 32, 16>}, {pipeline_mode = #tpu.pipeline_mode<synchronous>, transform_indices = @transform_3, window_bounds = array<i64: 32, 16>}, {transform_indices = @transform_4, window_bounds = array<i64: 1, 1024, 1024>}, {transform_indices = @transform_5, window_bounds = array<i64: 1, 1024, 1024>}, {transform_indices = @transform_6, window_bounds = array<i64: 1, 1024, 1024>}, {pipeline_mode = #tpu.pipeline_mode<synchronous>, transform_indices = @transform_7, window_bounds = array<i64: 64, 1, 1024>}, {transform_indices = @transform_8, window_bounds = array<i64: 1>}]} {
    %eq3A = arith.constant 0 : i32
    %eq3A_0 = arith.cmpi eq, %arg0, %eq3A : i32
    %eq3A_1 = arith.constant 0 : i32
    %eq3A_2 = arith.cmpi eq, %arg1, %eq3A_1 : i32
    %and3A = arith.andi %eq3A_0, %eq3A_2 : i1
    %convert_element_type3A = arith.extui %and3A : i1 to i32
    %cond3A = arith.constant 0 : i32
    %cond3A_3 = arith.cmpi ne, %convert_element_type3A, %cond3A : i32
    scf.if %cond3A_3 {
      %get3A_54 = arith.constant 0 : index
      %get3A_55 = arith.constant 0 : index
      %get3A_56 = arith.constant 0 : index
      %get3A_57 = vector.load %arg2[%get3A_54, %get3A_55, %get3A_56] : memref<64x1x1024xf32, #tpu.memory_space<vmem>>, vector<64x1x1024xf32>
      %get3A_58 = vector.shape_cast %get3A_57 : vector<64x1x1024xf32> to vector<64x1024xf32>
      %swap3A_59 = arith.constant 0 : index
      %swap3A_60 = arith.constant 0 : index
      %swap3A_61 = vector.load %arg11[%swap3A_59, %swap3A_60] : memref<64x1024xf32, #tpu.memory_space<vmem>>, vector<64x1024xf32>
      tpu.vector_store %arg11[%swap3A_59, %swap3A_60], %get3A_58 {strides = array<i32>} : memref<64x1024xf32, #tpu.memory_space<vmem>>, vector<64x1024xf32>,
      %get3A_62 = arith.constant 0 : index
      %get3A_63 = arith.constant 0 : index
      %get3A_64 = vector.load %arg4[%get3A_62, %get3A_63] : memref<32x16xf32, #tpu.memory_space<vmem>>, vector<32x16xf32>
      %reduce_sum3A_65 = arith.constant dense<0.000000e+00> : vector<16xf32>
      %reduce_sum3A_66 = vector.multi_reduction <add>, %get3A_64, %reduce_sum3A_65 [0] : vector<32x16xf32> to vector<16xf32>
      %div3A = arith.constant 6.400000e+01 : f32
      %div3A_67 = vector.broadcast %div3A : f32 to vector<16xf32>
      %div3A_68 = arith.divf %reduce_sum3A_66, %div3A_67 : vector<16xf32>
      %get3A_69 = arith.constant 0 : index
      %get3A_70 = arith.constant 0 : index
      %get3A_71 = vector.load %arg5[%get3A_69, %get3A_70] : memref<32x16xf32, #tpu.memory_space<vmem>>, vector<32x16xf32>
      %reduce_sum3A_72 = arith.constant dense<0.000000e+00> : vector<16xf32>
      %reduce_sum3A_73 = vector.multi_reduction <add>, %get3A_71, %reduce_sum3A_72 [0] : vector<32x16xf32> to vector<16xf32>
      %div3A_74 = arith.constant 6.400000e+01 : f32
      %div3A_75 = vector.broadcast %div3A_74 : f32 to vector<16xf32>
      %div3A_76 = arith.divf %reduce_sum3A_73, %div3A_75 : vector<16xf32>
      %mul3A_77 = arith.mulf %div3A_68, %div3A_76 : vector<16xf32>
      %reduce_sum3A_78 = vector.shape_cast %mul3A_77 : vector<16xf32> to vector<1x16xf32>
      %reduce_sum3A_79 = arith.constant dense<0.000000e+00> : vector<1xf32>
      %reduce_sum3A_80 = vector.multi_reduction <add>, %reduce_sum3A_78, %reduce_sum3A_79 [1] : vector<1x16xf32> to vector<1xf32>
      %reduce_sum3A_81 = vector.shape_cast %reduce_sum3A_80 : vector<1xf32> to vector<1x1xf32>
      %reduce_sum3A_82 = vector.extract %reduce_sum3A_81[0, 0] : f32 from vector<1x1xf32>
      %mul3A_83 = arith.constant 1.600000e+01 : f32
      %mul3A_84 = arith.mulf %mul3A_83, %reduce_sum3A_82 : f32
      %swap3A_85 = arith.constant 0 : index
      %swap3A_86 = memref.load %arg10[%swap3A_85] : memref<1xf32, #tpu.memory_space<smem>>
      memref.store %mul3A_84, %arg10[%swap3A_85] : memref<1xf32, #tpu.memory_space<smem>>
      %broadcast_in_dim3A_87 = arith.constant 0.000000e+00 : f32
      %broadcast_in_dim3A_88 = vector.broadcast %broadcast_in_dim3A_87 : f32 to vector<64x1024xf32>
      %swap3A_89 = arith.constant 0 : index
      %swap3A_90 = arith.constant 0 : index
      %swap3A_91 = vector.load %arg12[%swap3A_89, %swap3A_90] : memref<64x1024xf32, #tpu.memory_space<vmem>>, vector<64x1024xf32>
      tpu.vector_store %arg12[%swap3A_89, %swap3A_90], %broadcast_in_dim3A_88 {strides = array<i32>} : memref<64x1024xf32, #tpu.memory_space<vmem>>, vector<64x1024xf32>,
    } else {
    }
    %get3A = arith.constant 0 : index
    %get3A_4 = arith.constant 0 : index
    %get3A_5 = vector.load %arg11[%get3A, %get3A_4] : memref<64x1024xf32, #tpu.memory_space<vmem>>, vector<64x1024xf32>
    %get3A_6 = arith.constant 0 : index
    %get3A_7 = arith.constant 0 : index
    %get3A_8 = arith.constant 0 : index
    %get3A_9 = vector.load %arg6[%get3A_6, %get3A_7, %get3A_8] : memref<1x1024x1024xf32, #tpu.memory_space<vmem>>, vector<1x1024x1024xf32>
    %get3A_10 = vector.shape_cast %get3A_9 : vector<1x1024x1024xf32> to vector<1024x1024xf32>
    %dot_general3A = arith.constant dense<0.000000e+00> : vector<64x1024xf32>
    %dot_general3A_11 = tpu.matmul %get3A_5, %get3A_10, %dot_general3A {dimension_numbers = #tpu.dot_dimension_numbers<[1], [0], [0], [1], [0, 0, 1, 1], [], []>, transpose_lhs_hint = false} : vector<64x1024xf32>, vector<1024x1024xf32>, vector<64x1024xf32> -> vector<64x1024xf32>
    %get3A_12 = arith.constant 0 : index
    %get3A_13 = arith.constant 0 : index
    %get3A_14 = arith.constant 0 : index
    %get3A_15 = vector.load %arg7[%get3A_12, %get3A_13, %get3A_14] : memref<1x1024x1024xf32, #tpu.memory_space<vmem>>, vector<1x1024x1024xf32>
    %get3A_16 = vector.shape_cast %get3A_15 : vector<1x1024x1024xf32> to vector<1024x1024xf32>
    %dot_general3A_17 = arith.constant dense<0.000000e+00> : vector<64x1024xf32>
    %dot_general3A_18 = tpu.matmul %get3A_5, %get3A_16, %dot_general3A_17 {dimension_numbers = #tpu.dot_dimension_numbers<[1], [0], [0], [1], [0, 0, 1, 1], [], []>, transpose_lhs_hint = false} : vector<64x1024xf32>, vector<1024x1024xf32>, vector<64x1024xf32> -> vector<64x1024xf32>
    %logistic3A = arith.negf %dot_general3A_11 : vector<64x1024xf32>
    %logistic3A_19 = math.exp %logistic3A : vector<64x1024xf32>
    %logistic3A_20 = arith.constant 1.000000e+00 : f32
    %logistic3A_21 = vector.broadcast %logistic3A_20 : f32 to vector<64x1024xf32>
    %logistic3A_22 = arith.addf %logistic3A_21, %logistic3A_19 : vector<64x1024xf32>
    %logistic3A_23 = arith.divf %logistic3A_21, %logistic3A_22 : vector<64x1024xf32>
    %mul3A = arith.mulf %dot_general3A_11, %logistic3A_23 : vector<64x1024xf32>
    %mul3A_24 = arith.mulf %mul3A, %dot_general3A_18 : vector<64x1024xf32>
    %iota3A = tpu.iota {dimensions = array<i32: 1>} : vector<64x16xi32>
    %eq3A_25 = vector.broadcast %arg0 : i32 to vector<64x16xi32>
    %eq3A_26 = arith.cmpi eq, %iota3A, %eq3A_25 : vector<64x16xi32>
    %get3A_27 = arith.constant 0 : index
    %get3A_28 = arith.constant 0 : index
    %get3A_29 = vector.load %arg3[%get3A_27, %get3A_28] : memref<64x16xf32, #tpu.memory_space<vmem>>, vector<64x16xf32>
    %jit3A = arith.constant 0.000000e+00 : f32
    %broadcast_in_dim3A = vector.broadcast %jit3A : f32 to vector<64x16xf32>
    %select_n3A = arith.select %eq3A_26, %get3A_29, %broadcast_in_dim3A : vector<64x16xi1>, vector<64x16xf32>
    %reduce_sum3A = arith.constant dense<0.000000e+00> : vector<64xf32>
    %reduce_sum3A_30 = vector.multi_reduction <add>, %select_n3A, %reduce_sum3A [1] : vector<64x16xf32> to vector<64xf32>
    %broadcast_in_dim3A_31 = vector.shape_cast %reduce_sum3A_30 : vector<64xf32> to vector<64x1xf32>
    %get3A_32 = arith.constant 0 : index
    %get3A_33 = arith.constant 0 : index
    %get3A_34 = vector.load %arg12[%get3A_32, %get3A_33] : memref<64x1024xf32, #tpu.memory_space<vmem>>, vector<64x1024xf32>
    %mul3A_35 = vector.broadcast %broadcast_in_dim3A_31 : vector<64x1xf32> to vector<64x1024xf32>
    %mul3A_36 = arith.mulf %mul3A_24, %mul3A_35 : vector<64x1024xf32>
    %get3A_37 = arith.constant 0 : index
    %get3A_38 = arith.constant 0 : index
    %get3A_39 = arith.constant 0 : index
    %get3A_40 = vector.load %arg8[%get3A_37, %get3A_38, %get3A_39] : memref<1x1024x1024xf32, #tpu.memory_space<vmem>>, vector<1x1024x1024xf32>
    %get3A_41 = vector.shape_cast %get3A_40 : vector<1x1024x1024xf32> to vector<1024x1024xf32>
    %dot_general3A_42 = arith.constant dense<0.000000e+00> : vector<64x1024xf32>
    %dot_general3A_43 = tpu.matmul %mul3A_36, %get3A_41, %dot_general3A_42 {dimension_numbers = #tpu.dot_dimension_numbers<[1], [0], [0], [1], [0, 0, 1, 1], [], []>, transpose_lhs_hint = false} : vector<64x1024xf32>, vector<1024x1024xf32>, vector<64x1024xf32> -> vector<64x1024xf32>
    %add3A = arith.addf %get3A_34, %dot_general3A_43 : vector<64x1024xf32>
    %swap3A = arith.constant 0 : index
    %swap3A_44 = arith.constant 0 : index
    %swap3A_45 = vector.load %arg12[%swap3A, %swap3A_44] : memref<64x1024xf32, #tpu.memory_space<vmem>>, vector<64x1024xf32>
    tpu.vector_store %arg12[%swap3A, %swap3A_44], %add3A {strides = array<i32>} : memref<64x1024xf32, #tpu.memory_space<vmem>>, vector<64x1024xf32>,
    %eq3A_46 = arith.constant 15 : i32
    %eq3A_47 = arith.cmpi eq, %arg0, %eq3A_46 : i32
    %eq3A_48 = arith.constant 1 : i32
    %eq3A_49 = arith.cmpi eq, %arg1, %eq3A_48 : i32
    %and3A_50 = arith.andi %eq3A_47, %eq3A_49 : i1
    %convert_element_type3A_51 = arith.extui %and3A_50 : i1 to i32
    %cond3A_52 = arith.constant 0 : i32
    %cond3A_53 = arith.cmpi ne, %convert_element_type3A_51, %cond3A_52 : i32
    scf.if %cond3A_53 {
      %get3A_54 = arith.constant 0 : index
      %get3A_55 = arith.constant 0 : index
      %get3A_56 = vector.load %arg12[%get3A_54, %get3A_55] : memref<64x1024xf32, #tpu.memory_space<vmem>>, vector<64x1024xf32>
      %swap3A_57 = arith.constant 0 : index
      %swap3A_58 = arith.constant 0 : index
      %swap3A_59 = arith.constant 0 : index
      %swap3A_60 = vector.load %arg9[%swap3A_57, %swap3A_58, %swap3A_59] : memref<64x1x1024xf32, #tpu.memory_space<vmem>>, vector<64x1x1024xf32>
      %swap3A_61 = vector.shape_cast %swap3A_60 : vector<64x1x1024xf32> to vector<64x1024xf32>
      %swap3A_62 = vector.shape_cast %get3A_56 : vector<64x1024xf32> to vector<64x1x1024xf32>
      tpu.vector_store %arg9[%swap3A_57, %swap3A_58, %swap3A_59], %swap3A_62 {strides = array<i32>} : memref<64x1x1024xf32, #tpu.memory_space<vmem>>, vector<64x1x1024xf32>,
    } else {
    }
    return
  }
  func.func @transform_0(%arg0: i32, %arg1: i32) -> (i32, i32, i32) {
    %c0_i32 = arith.constant 0 : i32
    %c0_i32_0 = arith.constant 0 : i32
    %c0_i32_1 = arith.constant 0 : i32
    %c0_i32_2 = arith.constant 0 : i32
    return %c0_i32, %c0_i32_0, %c0_i32_1 : i32, i32, i32
  }
  func.func @transform_1(%arg0: i32, %arg1: i32) -> (i32, i32) {
    %c0_i32 = arith.constant 0 : i32
    %c0_i32_0 = arith.constant 0 : i32
    %c0_i32_1 = arith.constant 0 : i32
    return %c0_i32, %c0_i32_0 : i32, i32
  }
  func.func @transform_2(%arg0: i32, %arg1: i32) -> (i32, i32) {
    %c0_i32 = arith.constant 0 : i32
    %c0_i32_0 = arith.constant 0 : i32
    %c0_i32_1 = arith.constant 0 : i32
    return %c0_i32, %c0_i32_0 : i32, i32
  }
  func.func @transform_3(%arg0: i32, %arg1: i32) -> (i32, i32) {
    %c0_i32 = arith.constant 0 : i32
    %c0_i32_0 = arith.constant 0 : i32
    %c0_i32_1 = arith.constant 0 : i32
    return %c0_i32, %c0_i32_0 : i32, i32
  }
  func.func @transform_4(%arg0: i32, %arg1: i32) -> (i32, i32, i32) {
    %c0_i32 = arith.constant 0 : i32
    %c0_i32_0 = arith.constant 0 : i32
    return %arg0, %c0_i32, %arg1 : i32, i32, i32
  }
  func.func @transform_5(%arg0: i32, %arg1: i32) -> (i32, i32, i32) {
    %c0_i32 = arith.constant 0 : i32
    %c0_i32_0 = arith.constant 0 : i32
    return %arg0, %c0_i32, %arg1 : i32, i32, i32
  }
  func.func @transform_6(%arg0: i32, %arg1: i32) -> (i32, i32, i32) {
    %c0_i32 = arith.constant 0 : i32
    %c0_i32_0 = arith.constant 0 : i32
    return %arg0, %arg1, %c0_i32 : i32, i32, i32
  }
  func.func @transform_7(%arg0: i32, %arg1: i32) -> (i32, i32, i32) {
    %c0_i32 = arith.constant 0 : i32
    %c0_i32_0 = arith.constant 0 : i32
    %c0_i32_1 = arith.constant 0 : i32
    %c0_i32_2 = arith.constant 0 : i32
    return %c0_i32, %c0_i32_0, %c0_i32_1 : i32, i32, i32
  }
  func.func @transform_8(%arg0: i32, %arg1: i32) -> i32 {
    %c0_i32 = arith.constant 0 : i32
    %c0_i32_0 = arith.constant 0 : i32
    return %c0_i32 : i32
  }
}

</mosaic_0001>

<sc_bundles>
// kernel: kernel.5.cloned.1.call-start
scs
__scs_entry_jumppad:
0x0: {  	(pc) =	sbr.rel $0x88, $3  }
0x1: {  	(tag) =	ssettag $0x0;
	lr =	simm.s32 $0x1  }
0x2: {  	[smem:$0x3F9C] =	sst lr;
	_ =	strace $0xD0000000  }
0x3: {  	_ = 	snop  }
0x4: {  	_ = 	snop  }
0x5: {  	_ = 	snop  }
0x6: {  	_ = 	snop  }
0x7: {  	_ = 	snop  }
__scs_overlays_trampoline_lowered:
0x8: {  	[smem:$0x3FAB] =	sst s0  }
0x9: {  	[smem:$0x3FAC] =	sst s1  }
0xa: {  	[smem:$0x3FAD] =	sst s2  }
0xb: {  	[smem:$0x3FAE] =	sst s3  }
0xc: {  	[smem:$0x3FAF] =	sst s4  }
0xd: {  	[smem:$0x3FB0] =	sst s5  }
0xe: {  	[smem:$0x3FB1] =	sst s6  }
0xf: {  	[smem:$0x3FB2] =	sst s7  }
0x10: {  	[smem:$0x3FB3] =	sst s8  }
0x11: {  	[smem:$0x3FB4] =	sst s9;
	s0 =	simm.s32 @!p0 $0x0  }
0x12: {  	s1 =	sld [smem:$0x3F9A];
	s0 =	simm.s32 @p0 $0x1  }
0x13: {  	[smem:$0x3FB5] =	sst s0;
	s0 =	simm.s32 @!p1 $0x0  }
0x14: {  	s2 =	sld [smem:$0x3F99];
	s0 =	simm.s32 @p1 $0x1  }
0x15: {  	[smem:$0x3FB6] =	sst s0;
	s0 =	simm.s32 @!p2 $0x0  }
0x16: {  	s3 =	sld [smem:$0x3FDB];
	s0 =	simm.s32 @p2 $0x1  }
0x17: {  	s4 =	simm.s32 $0x1BF5;
	[smem:$0x3FB8] =	sst s0  }
0x18: {  	s0 =	sld [smem:$0x3F9B];
	_ =	swait.ge [sflag:s4], $0x0  }
0x19: {  	s7 =	sld [smem:$0x3F9C]  }
0x1a: {  	s8 =	sadd.s32 $0xFFFFE003, lr  }
0x1b: {  	s9 =	sadd.s32 $0xFFFFFEF7, lr;
	s5 =	simm.s32 $0xFFFFFFFF;
	p2 =	slt.u32 s8, $0xFFFFF086  }
0x1c: {  	p1 =	slt.u32 s9, $0xF7A;
	s5 =	simm.s32 @!p2 $0x0  }
0x1d: {  	s5 =	simm.s32 @p1 $0x1;
	p0 =	seq.s32 s7, s2  }
0x1e: {  	s7 =	smul.u32 @!p0 $0xF7A, s2;
	p2 =	seq.s32 @!p0 s5, $0x0  }
0x1f: {  	s9 =	smul.u32 $0xF7A, s1;
	s8 =	simm.s32 @!p0 $0x1BF5;
	p2 =	por !p2, p0  }
0x20: {  	[sflag:s8] =	ssyncset.s32 @!p0 $0xFFFFF086;
	s6 =	sadd.s32 @!p0 s3, s7;
	s7 =	simm.s32 @!p0 $0x108  }
0x21: {  	s3 =	sadd.s32 s3, s9;
	s6 =	sadd.s32 @!p0 $0x88, s6;
	s7 =	simm.s32 @p2 $0x1082  }
0x22: {  	[simem:s7], [sflag:s8] =	dma.local @!p0 [hbm:s6], $0xF7A  }
0x23: {  	s9 =	sor.u32 $0xD0000000, s2;
	s6 =	simm.s32 $0x108;
	_ =	swait.ge @!p0 [sflag:s8], $0x0  }
0x24: {  	s3 =	sadd.s32 $0x88, s3;
	s6 =	simm.s32 @!p1 $0x1082;
	[sflag:s4] =	ssyncset.s32 $0xFFFFF086  }
0x25: {  	[simem:s6], [sflag:s4] =	dma.local [hbm:s3], $0xF7A  }
0x26: {  	[smem:$0x3F9C] =	sst s1;
	(tag) =	ssettag s2;
	_ =	strace s9  }
0x27: {  	s1 =	sld [smem:$0x3FAC]  }
0x28: {  	s2 =	sld [smem:$0x3FAD]  }
0x29: {  	s4 =	sld [smem:$0x3FAF]  }
0x2a: {  	p0 =	seq.s32 s5, $0x0;
	s5 =	sld [smem:$0x3FB0]  }
0x2b: {  	s6 =	sld [smem:$0x3FB1]  }
0x2c: {  	s7 =	sld [smem:$0x3FB2]  }
0x2d: {  	s3 =	simm.s32 $0x108;
	s8 =	sld [smem:$0x3FB3]  }
0x2e: {  	s3 =	simm.s32 @!p0 $0x1082;
	s9 =	sld [smem:$0x3FB4]  }
0x2f: {  	lr =	sadd.s32 s0, s3;
	s0 =	sld [smem:$0x3FAB]  }
0x30: {  	s3 =	sld [smem:$0x3FAE]  }
0x31: {  	[smem:$0x3FB7] =	sst s10  }
0x32: {  	s10 =	sld [smem:$0x3FB5];
	_ =	sdelay $0x3  }
0x33: {  	p0 =	seq.s32 s10, $0x1;
	s10 =	sld [smem:$0x3FB7];
	_ =	sdelay $0x3  }
0x34: {  	[smem:$0x3FB7] =	sst s10  }
0x35: {  	s10 =	sld [smem:$0x3FB6];
	_ =	sdelay $0x3  }
0x36: {  	p1 =	seq.s32 s10, $0x1;
	s10 =	sld [smem:$0x3FB7];
	_ =	sdelay $0x3  }
0x37: {  	[smem:$0x3FB7] =	sst s10  }
0x38: {  	s10 =	sld [smem:$0x3FB8]  }
0x39: {  	_ = 	snop;
	(pc) =	sbr.ind lr, $3  }
0x3a: {  	_ = 	snop  }
0x3b: {  	_ = 	snop  }
0x3c: {  	p2 =	seq.s32 s10, $0x1;
	s10 =	sld [smem:$0x3FB7]  }
0x3d: {  	_ =	shalt  }
0x3e: {  	_ =	shalt  }
0x3f: {  	_ =	shalt  }
0x40: {  	_ =	shalt  }
0x41: {  	_ =	shalt  }
0x42: {  	_ =	shalt  }
0x43: {  	_ =	shalt  }
0x44: {  	_ =	shalt  }
0x45: {  	_ =	shalt  }
0x46: {  	_ =	shalt  }
0x47: {  	_ =	shalt  }
0x48: {  	_ =	shalt  }
0x49: {  	_ =	shalt  }
0x4a: {  	_ =	shalt  }
0x4b: {  	_ =	shalt  }
0x4c: {  	_ =	shalt  }
0x4d: {  	_ =	shalt  }
0x4e: {  	_ =	shalt  }
0x4f: {  	_ =	shalt  }
0x50: {  	_ =	shalt  }
0x51: {  	_ =	shalt  }
0x52: {  	_ =	shalt  }
0x53: {  	_ =	shalt  }
0x54: {  	_ =	shalt  }
0x55: {  	_ =	shalt  }
0x56: {  	_ =	shalt  }
0x57: {  	_ =	shalt  }
0x58: {  	_ =	shalt  }
0x59: {  	_ =	shalt  }
0x5a: {  	_ =	shalt  }
0x5b: {  	_ =	shalt  }
0x5c: {  	_ =	shalt  }
0x5d: {  	_ =	shalt  }
0x5e: {  	_ =	shalt  }
0x5f: {  	_ =	shalt  }
0x60: {  	_ =	shalt  }
0x61: {  	_ =	shalt  }
0x62: {  	_ =	shalt  }
0x63: {  	_ =	shalt  }
0x64: {  	_ =	shalt  }
0x65: {  	_ =	shalt  }
0x66: {  	_ =	shalt  }
0x67: {  	_ =	shalt  }
0x68: {  	_ =	shalt  }
0x69: {  	_ =	shalt  }
0x6a: {  	_ =	shalt  }
0x6b: {  	_ =	shalt  }
0x6c: {  	_ =	shalt  }
0x6d: {  	_ =	shalt  }
0x6e: {  	_ =	shalt  }
0x6f: {  	_ =	shalt  }
0x70: {  	_ =	shalt  }
0x71: {  	_ =	shalt  }
0x72: {  	_ =	shalt  }
0x73: {  	_ =	shalt  }
0x74: {  	_ =	shalt  }
0x75: {  	_ =	shalt  }
0x76: {  	_ =	shalt  }
0x77: {  	_ =	shalt  }
0x78: {  	_ =	shalt  }
0x79: {  	_ =	shalt  }
0x7a: {  	_ =	shalt  }
0x7b: {  	_ =	shalt  }
0x7c: {  	_ =	shalt  }
0x7d: {  	_ =	shalt  }
0x7e: {  	_ =	shalt  }
0x7f: {  	_ =	shalt  }
0x80: {  	_ =	shalt  }
0x81: {  	_ =	shalt  }
0x82: {  	_ =	shalt  }
0x83: {  	_ =	shalt  }
0x84: {  	_ =	shalt  }
0x85: {  	_ =	shalt  }
0x86: {  	_ =	shalt  }
0x87: {  	_ =	shalt  }
.Lfunc_end0:
.L_simem_size_0:
called_computation_lowered:
.L_overlay_start_0:
0x88: {  	s2 =	sld [smem:$0x3FD9]  }
0x89: {  	s3 =	sld [smem:$0x3FFE];
	_ =	sdelay $0x1  }
0x8a: {  	s1 =	srdreg.scid  }
0x8b: {  	s0 =	sand.u32 $0x1, s1  }
0x8c: {  	s14 =	sshll.u32 s0, $0xA;
	s2 =	sadd.s32 s3, s2  }
0x8d: {  	s2 =	sadd.s32 s2, s14  }
0x8e: {  	[smem:$0x3FC3] =	sst s2  }
0x8f: {  	_ = 	snop  }
0x90: {  	s2 =	sld [smem:$0x3FD0];
	_ =	sdelay $0x2  }
0x91: {  	s15 =	simm.s32 $0xA;
	s4 =	simm.s32 $0x10  }
0x92: {  	[smem:s4], [sflag:s15] =	dma.local [hbm:s2], $0x1  }
0x93: {  	_ =	swait.eq [sflag:s15], $0x1  }
0x94: {  	[sflag:s15] =	ssyncset.done $0x0  }
0x95: {  	[sflag:s15] =	ssyncadd.s32 $0xFFFFFFFF  }
0x96: {  	s16 =	sld [smem:$0x10];
	(tm) =	ssettm $0x1  }
0x97: {  	s17 =	sld [smem:$0x3FFB];
	_ =	sdelay $0x3  }
0x98: {  	_ =	strace s17  }
0x99: {  	s3 =	sld [smem:$0x3FFC];
	_ =	sdelay $0x3  }
0x9a: {  	_ =	strace s3  }
0x9b: {  	s3 =	sld [smem:$0x3FFD];
	_ =	sdelay $0x3  }
0x9c: {  	_ =	strace s3  }
0x9d: {  	_ =	strace $0x8FFFFFFF  }
0x9e: {  	s18 =	sld [smem:$0x3FDB];
	_ =	sdelay $0x1  }
0x9f: {  	s19 =	simm.s32 $_scs_section_size  }
0xa0: {  	s5 =	simm.s32 $_size__tile_overlayer_lowered;
	s6 =	simm.s32 $_tile_overlayer_lowered  }
0xa1: {  	s22 =	simm.s32 $0x1BFF;
	s21 =	sshll.u32 s6, $0x1;
	s3 =	sadd.s32 s19, s18  }
0xa2: {  	s7 =	simm.s32 $0x0;
	s20 =	sshll.u32 s5, $0x1;
	s5 =	sadd.s32 s21, s3  }
0xa3: {  	[timem:s7], [sflag:s22] =	dma.local [hbm:s5], s20  }
0xa4: {  	_ =	swait.ge [sflag:s22], s20  }
0xa5: {  	s4 =	ssub.s32 $0x0, s20;
	[sflag:s22] =	ssyncset.done $0x0  }
0xa6: {  	[sflag:s22] =	ssyncadd.s32 s4;
	_ =	sdelay $0x1  }
0xa7: {  	s23 =	simm.s32 $0x1B8B  }
0xa8: {  	_ =	swait.ge [sflag:s23], $0x1  }
0xa9: {  	[sflag:s23] =	ssyncset.done $0x0  }
0xaa: {  	s25 =	simm.s32 $0x1B8E;
	s24 =	sld [smem:$0x3FFE];
	[sflag:s23] =	ssyncadd.s32 $0xFFFFFFFF  }
0xab: {  	s26 =	simm.s32 $execute0_lowered;
	[smem:$0x3FD2] =	sst s25  }
0xac: {  	s5 =	sshll.u32 s26, $0x1;
	_ =	strace $0x80000046;
	[dreg:$0x1] =	wrdreg $0xFFFFFFFF  }
0xad: {  	s28 =	simm.s32 $_size_execute0_lowered;
	s3 =	sadd.s32 s3, s5;
	[dreg:$0x0] =	wrdreg $0x0  }
0xae: {  	s5 =	sshll.u32 s28, $0x1;
	[dreg:$0x2] =	wrdreg s3  }
0xaf: {  	[dreg:$0x3] =	wrdreg s5  }
0xb0: {  	[dreg:$0x4] =	wrdreg $0xC0  }
0xb1: {  	_ =	task [dreg:s7], $0x5FFFF  }
0xb2: {  	[dreg:$0x1] =	wrdreg $0xFFFFFFFF  }
0xb3: {  	[dreg:$0x0] =	wrdreg $0x60  }
0xb4: {  	[dreg:$0x2] =	wrdreg s16  }
0xb5: {  	[dreg:$0x3] =	wrdreg s24  }
0xb6: {  	[dreg:$0x4] =	wrdreg $0x9  }
0xb7: {  	_ =	task.clear_ibuf [dreg:s7], $0x5FFFF;
	_ =	strace $0x90000046  }
0xb8: {  	s29 =	simm.s32 $0x9;
	_ =	strace $0x80000048  }
0xb9: {  	_ =	swait.ge [sflag:s29], $0x1  }
0xba: {  	[sflag:s29] =	ssyncadd.s32 $0xFFFFFFFF  }
0xbb: {  	_ =	strace $0x90000048  }
0xbc: {  	_ =	sfence  }
0xbd: {  	s30 =	sld [smem:$0x0];
	_ =	sdelay $0x2  }
0xbe: {  	s31 =	sshll.u32 s1, $0xD;
	s1 =	sshrl.u32 s1, $0x2  }
0xbf: {  	s3 =	sand.u32 $0x4000, s31;
	s1 =	sadd.s32 s1, s30  }
0xc0: {  	s0 =	sor.u32 s3, s0;
	s1 =	sshll.u32 s1, $0x11  }
0xc1: {  	s0 =	sor.u32 s1, s0  }
0xc2: {  	s0 =	sadd.s32 $0x8F2B, s0  }
0xc3: {  	[sflag:s0] =	ssyncadd.remote.s32 $0x1  }
0xc4: {  	_ =	sfence.sel $0xFFFF  }
0xc5: {  	[dreg:$0x0] =	wrdreg $0xFFFFFFFF;
	(pc) =	sbr.abs _section_cstart, $3  }
0xc6: {  	[dreg:$0x1] =	wrdreg $0xFFFFFFFF  }
0xc7: {  	_ =	task.clear_ibuf [dreg:s7], $0x2FFFF;
	_ =	strace $0x9FFFFFFF  }
0xc8: {  	(tm) =	ssettm $0x7FFFFFFF  }
0xc9: {  	_ =	shalt  }
tec
execute0_lowered:
.L_overlay_start_1:
0x0: {  	(tag) =	ssettag $0x1  }
0x1: {  	s3 =	rddreg [dreg:$0x0]  }
0x2: {  	s1 =	srdreg.scid;
	s0 =	stileid.u32  }
0x3: {  	s5 =	rddreg [dreg:$0x1];
	s7 =	sand.u32 $0x1, s1;
	s4 =	sshll.u32 s0, $0x1  }
0x4: {  	s2 =	simm.s32 $0x0;
	s1 =	rddreg [dreg:$0x2];
	s6 =	sor.u32 s7, s4  }
0x5: {  	[smem:$0x7FF] =	sst s2;
	s8 =	sshll.u32 s6, $0x5  }
0x6: {  	_ =	strace $0x80000047;
	s4 =	simm.s32 $0x2;
	s3 =	sadd.s32 s3, s8  }
0x7: {  	[tilespmem:s2], [sflag:$0x2] =	stream.linear.gather [hbm4b:s3+s2], $0x100, $0x38;
	[tilespmem:$0x300] =	vst v63  }
0x8: {  	_ =	swait.ge [sflag:s4], $0x100  }
0x9: {  	[sflag:s4] =	ssyncset.done $0x0  }
0xa: {  	[sflag:s4] =	ssyncadd.s32 $0xFFFFFF00  }
0xb: {  	v0 =	vld [tilespmem:$0x0];
	_ =	sdelay $0x1  }
0xc: {  	v1 =	vld [tilespmem:$0x80];
	_ =	sdelay $0x2  }
0xd: {  	(xrf0) =	vmax.scan.msk.f32 $0xffff, v0;
	_ =	sdelay $0x1  }
0xe: {  	(xrf0) =	vmax.scan.msk.f32 $0xffff, v1;
	_ =	sdelay $0x3  }
0xf: {  	v2, _, _ =	vpop (xrf0)  }
0x10: {  	v2 =	vbroadcast v2, $0xF  }
0x11: {  	v3, _, _ =	vpop (xrf0)  }
0x12: {  	v3 =	vbroadcast v3, $0xF;
	v0 =	vsub.f32 v0, v2;
	_ =	sdelay $0x1  }
0x13: {  	v1 =	vsub.f32 v1, v3;
	v0 =	vmul.f32 $1.442695020e+00, v0;
	_ =	sdelay $0x1  }
0x14: {  	v1 =	vmul.f32 $1.442695020e+00, v1;
	(erf) = vpow2.f32 v0;
	_ =	sdelay $0x1  }
0x15: {  	(erf) = vpow2.f32 v1;
	_ =	sdelay $0x6  }
0x16: {  	v0 =	vpop (erf)  }
0x17: {  	(xrf2) =	vadd.scan.msk.f32 $0xffff, v0  }
0x18: {  	v1 =	vpop (erf)  }
0x19: {  	(xrf2) =	vadd.scan.msk.f32 $0xffff, v1;
	_ =	sdelay $0x7  }
0x1a: {  	v2, _, _ =	vpop (xrf2)  }
0x1b: {  	v2 =	vbroadcast v2, $0xF  }
0x1c: {  	v3, _, _ =	vpop (xrf2)  }
0x1d: {  	(erf) = vrcp.f32 v2;
	v2 =	vbroadcast v3, $0xF;
	_ =	sdelay $0x1  }
0x1e: {  	(erf) = vrcp.f32 v2;
	_ =	sdelay $0x7  }
0x1f: {  	v2 =	vpop (erf)  }
0x20: {  	v3 =	vmul.f32 v2, v0;
	v0 =	vpop (erf)  }
0x21: {  	v4 =	vmul.f32 v0, v1  }
0x22: {  	(xrf0) =	vmax.scan.msk.f32 $0xffff, v3  }
0x23: {  	(xrf0) =	vmax.scan.msk.f32 $0xffff, v4;
	_ =	sdelay $0x4  }
0x24: {  	v2, _, _ =	vpop (xrf0)  }
0x25: {  	v5 =	vbroadcast v2, $0xF;
	v6, _, _ =	vpop (xrf0)  }
0x26: {  	v0 =	vlaneseq.u32;
	v7 =	vbroadcast v6, $0xF  }
0x27: {  	v1 =	vor.u32 $0x80000000, v0;
	vm0 =	veq.f32 v3, v5  }
0x28: {  	v8 =	vnsel vm0, $0x80000010, v1;
	vm11 =	veq.f32 v4, v7  }
0x29: {  	(xrf0) =	vmin.scan.msk.u32 $0xffff, v8;
	v49 =	vnsel vm11, $0x80000010, v1  }
0x2a: {  	(xrf0) =	vmin.scan.msk.u32 $0xffff, v49;
	_ =	sdelay $0x4  }
0x2b: {  	v50, _, _ =	vpop (xrf0)  }
0x2c: {  	(v2sf) =	vpush v50, $0xF;
	v51, _, _ =	vpop (xrf0)  }
0x2d: {  	(v2sf) =	vpush v51, $0xF;
	_ =	sdelay $0xd  }
0x2e: {  	s9 =	spop (v2sf)  }
0x2f: {  	s9 =	sxor.u32 $0x80000000, s9;
	s25 =	spop (v2sf)  }
0x30: {  	v52 =	vmov s9;
	s9 =	sxor.u32 $0x80000000, s25  }
0x31: {  	vm1 =	veq.s32 v52, v0;
	v9 =	vmov s9  }
0x32: {  	v8 =	vsel vm1, $0xFF800000, v3;
	vm12 =	veq.s32 v9, v0  }
0x33: {  	(xrf0) =	vmax.scan.msk.f32 $0xffff, v8;
	v9 =	vsel vm12, $0xFF800000, v4  }
0x34: {  	(xrf0) =	vmax.scan.msk.f32 $0xffff, v9;
	_ =	sdelay $0x4  }
0x35: {  	v10, _, _ =	vpop (xrf0)  }
0x36: {  	v11 =	vbroadcast v10, $0xF;
	v12, _, _ =	vpop (xrf0)  }
0x37: {  	v53 =	vbroadcast v12, $0xF  }
0x38: {  	(v2sf) =	vpush v2, $0xF;
	vm2 =	veq.f32 v8, v11  }
0x39: {  	(v2sf) =	vpush v10, $0xF;
	v2 =	vnsel vm2, $0x80000010, v1;
	vm13 =	veq.f32 v9, v53  }
0x3a: {  	(v2sf) =	vpush v6, $0xF;
	(xrf0) =	vmin.scan.msk.u32 $0xffff, v2;
	v2 =	vnsel vm13, $0x80000010, v1  }
0x3b: {  	(v2sf) =	vpush v12, $0xF;
	(xrf0) =	vmin.scan.msk.u32 $0xffff, v2;
	_ =	sdelay $0x4  }
0x3c: {  	v2, _, _ =	vpop (xrf0)  }
0x3d: {  	(v2sf) =	vpush v2, $0xF;
	v2, _, _ =	vpop (xrf0)  }
0x3e: {  	(v2sf) =	vpush v2, $0xF;
	_ =	sdelay $0x4  }
0x3f: {  	s26 =	spop (v2sf)  }
0x40: {  	s10 =	spop (v2sf)  }
0x41: {  	s11 =	spop (v2sf)  }
0x42: {  	s9 =	sadd.f32 s10, s26;
	s28 =	spop (v2sf)  }
0x43: {  	s10 =	sadd.f32 s28, s11  }
0x44: {  	v2 =	vmov s9  }
0x45: {  	(erf) = vrcp.f32 v2;
	v54 =	vmov s10  }
0x46: {  	(erf) = vrcp.f32 v54;
	_ =	sdelay $0x1  }
0x47: {  	v3 =	vadd.f32 $0.0e+00, v3;
	s29 =	spop (v2sf)  }
0x48: {  	v5 =	vnsel vm1, $0x0, v5;
	s9 =	sxor.u32 $0x80000000, s29;
	s30 =	spop (v2sf)  }
0x49: {  	v7 =	vnsel vm12, $0x0, v7;
	v3 =	vadd.f32 v4, v3;
	v55 =	vmov s9;
	s9 =	sxor.u32 $0x80000000, s30  }
0x4a: {  	v2 =	vimm.s32 $0x0;
	vm14 =	veq.s32 v55, v0;
	v57 =	vmov s9  }
0x4b: {  	v56 =	vsel vm1, $0x3F800000, v2;
	v6 =	vnsel vm14, $0x0, v11;
	vm15 =	veq.s32 v57, v0  }
0x4c: {  	v58 =	vsel vm12, $0x3F800000, v2;
	v59 =	vadd.f32 v6, v5;
	v60 =	vnsel vm15, $0x0, v53  }
0x4d: {  	v61 =	vadd.f32 v58, v56;
	v62 =	vpop (erf);
	v5 =	vadd.f32 v60, v7  }
0x4e: {  	s12 =	ssub.s32 $0x2, s7;
	[tilespmem:$0x200] =	vst v3;
	v63 =	vpop (erf);
	v3 =	vmul.f32 v59, v62  }
0x4f: {  	s6 =	sshll.u32 s6, $0x4;
	s13 =	sshrl.u32 s12, $0x1;
	[tilespmem:$0x280] =	vst v61;
	v4 =	vmul.f32 v5, v63  }
0x50: {  	s8 =	sadd.s32 s8, s5;
	s31 =	sadd.s32 s6, s5;
	s6 =	simm.s32 $0x100;
	[tilespmem:$0x100] =	vst v3  }
0x51: {  	s12 =	ssub.s32 s12, s13;
	s5 =	sadd.s32 $0x1800, s8;
	s7 =	sadd.s32 $0x1C00, s31;
	[tilespmem:$0x180] =	vst v4  }
0x52: {  	[hbm4b:s5+s2] =	stream.linear.scatter [tilespmem:s6], [sflag:$0x1], $0x100, $0x38;
	[tilespmem:$0x300] =	vst v63  }
0x53: {  	s8 =	simm.s32 $0x1;
	s12 =	smax.u32 s12, $0x1;
	s9 =	simm.s32 $0x200  }
0x54: {  	[hbm4b:s7+s2] =	stream.linear.scatter [tilespmem:s9], [sflag:$0x1], $0x80, $0x38;
	[tilespmem:$0x300] =	vst v63  }
0x55: {  	p0 =	sne.s32 s12, $0x1;
	s11 =	simm.s32 $0x280;
	s10 =	sadd.s32 $0x1E00, s31  }
0x56: {  	[hbm4b:s10+s2] =	stream.linear.scatter [tilespmem:s11], [sflag:$0x1], $0x80, $0x38;
	[tilespmem:$0x300] =	vst v63  }
.Ltmp0:
0x57: {  	_ =	swait.ge [sflag:s8], $0x100;
	(pc) =	sbr.rel @!p0 .LBB2_2-.Ltmp0, $4  }
0x58: {  	[sflag:s8] =	ssyncset.done $0x0  }
0x59: {  	[sflag:s8] =	ssyncadd.s32 $0xFFFFFF00  }
0x5a: {  	_ =	swait.ge [sflag:s8], $0x80  }
0x5b: {  	s12 =	sadd.s32 $0xFFFFFFFF, s12;
	[sflag:s8] =	ssyncset.done $0x0  }
.LBB2_1:
0x5c: {  	p0 =	sne.s32 s12, $0x1;
	s12 =	sadd.s32 $0xFFFFFFFF, s12;
	[sflag:s8] =	ssyncadd.s32 $0xFFFFFF80  }
0x5d: {  	_ =	swait.ge [sflag:s8], $0x80  }
0x5e: {  	[sflag:s8] =	ssyncset.done $0x0  }
0x5f: {  	[sflag:s8] =	ssyncadd.s32 $0xFFFFFF80  }
0x60: {  	[tilespmem:s2], [sflag:$0x2] =	stream.linear.gather [hbm4b:s3+s2], $0x100, $0x38;
	[tilespmem:$0x300] =	vst v63  }
0x61: {  	_ =	swait.ge [sflag:s4], $0x100  }
0x62: {  	[sflag:s4] =	ssyncset.done $0x0  }
0x63: {  	[sflag:s4] =	ssyncadd.s32 $0xFFFFFF00  }
0x64: {  	v3 =	vld [tilespmem:$0x0]  }
0x65: {  	v4 =	vld [tilespmem:$0x80];
	_ =	sdelay $0x3  }
0x66: {  	(xrf0) =	vmax.scan.msk.f32 $0xffff, v3  }
0x67: {  	(xrf0) =	vmax.scan.msk.f32 $0xffff, v4;
	_ =	sdelay $0x4  }
0x68: {  	v5, _, _ =	vpop (xrf0)  }
0x69: {  	v5 =	vbroadcast v5, $0xF;
	v6, _, _ =	vpop (xrf0)  }
0x6a: {  	v6 =	vbroadcast v6, $0xF  }
0x6b: {  	v3 =	vsub.f32 v3, v5  }
0x6c: {  	v4 =	vsub.f32 v4, v6  }
0x6d: {  	v3 =	vmul.f32 $1.442695020e+00, v3  }
0x6e: {  	v4 =	vmul.f32 $1.442695020e+00, v4  }
0x6f: {  	(erf) = vpow2.f32 v3  }
0x70: {  	(erf) = vpow2.f32 v4;
	_ =	sdelay $0x7  }
0x71: {  	v3 =	vpop (erf)  }
0x72: {  	(xrf2) =	vadd.scan.msk.f32 $0xffff, v3;
	v4 =	vpop (erf);
	_ =	sdelay $0x2  }
0x73: {  	(xrf2) =	vadd.scan.msk.f32 $0xffff, v4;
	_ =	sdelay $0x6  }
0x74: {  	v5, _, _ =	vpop (xrf2)  }
0x75: {  	v6 =	vbroadcast v5, $0xF;
	_ =	sdelay $0x1  }
0x76: {  	(erf) = vrcp.f32 v6;
	v5, _, _ =	vpop (xrf2)  }
0x77: {  	v5 =	vbroadcast v5, $0xF;
	_ =	sdelay $0x1  }
0x78: {  	(erf) = vrcp.f32 v5;
	_ =	sdelay $0x5  }
0x79: {  	v5 =	vpop (erf)  }
0x7a: {  	v3 =	vmul.f32 v5, v3;
	_ =	sdelay $0x1  }
0x7b: {  	(xrf0) =	vmax.scan.msk.f32 $0xffff, v3;
	v5 =	vpop (erf)  }
0x7c: {  	v6 =	vadd.f32 $0.0e+00, v3;
	v4 =	vmul.f32 v5, v4;
	_ =	sdelay $0x1  }
0x7d: {  	v6 =	vadd.f32 v4, v6;
	(xrf0) =	vmax.scan.msk.f32 $0xffff, v4;
	_ =	sdelay $0x1  }
0x7e: {  	[tilespmem:$0x200] =	vst v6  }
0x7f: {  	v5, _, _ =	vpop (xrf0)  }
0x80: {  	v6 =	vbroadcast v5, $0xF;
	_ =	sdelay $0x1  }
0x81: {  	vm0 =	veq.f32 v3, v6;
	v7, _, _ =	vpop (xrf0)  }
0x82: {  	v8 =	vnsel vm0, $0x80000010, v1;
	v9 =	vbroadcast v7, $0xF  }
0x83: {  	(xrf0) =	vmin.scan.msk.u32 $0xffff, v8  }
0x84: {  	vm0 =	veq.f32 v4, v9  }
0x85: {  	v8 =	vnsel vm0, $0x80000010, v1  }
0x86: {  	(xrf0) =	vmin.scan.msk.u32 $0xffff, v8;
	_ =	sdelay $0x2  }
0x87: {  	v8, _, _ =	vpop (xrf0)  }
0x88: {  	(v2sf) =	vpush v8, $0xF;
	_ =	sdelay $0x1  }
0x89: {  	v8, _, _ =	vpop (xrf0)  }
0x8a: {  	(v2sf) =	vpush v8, $0xF;
	_ =	sdelay $0xb  }
0x8b: {  	s13 =	spop (v2sf)  }
0x8c: {  	s13 =	sxor.u32 $0x80000000, s13  }
0x8d: {  	v8 =	vmov s13  }
0x8e: {  	vm0 =	veq.s32 v8, v0;
	s13 =	spop (v2sf)  }
0x8f: {  	v3 =	vsel vm0, $0xFF800000, v3;
	v6 =	vnsel vm0, $0x0, v6;
	s13 =	sxor.u32 $0x80000000, s13  }
0x90: {  	v8 =	vmov s13;
	(xrf0) =	vmax.scan.msk.f32 $0xffff, v3  }
0x91: {  	v10 =	vsel vm0, $0x3F800000, v2;
	vm0 =	veq.s32 v8, v0  }
0x92: {  	v4 =	vsel vm0, $0xFF800000, v4;
	v8 =	vnsel vm0, $0x0, v9;
	v9 =	vsel vm0, $0x3F800000, v2  }
0x93: {  	v9 =	vadd.f32 v9, v10;
	(xrf0) =	vmax.scan.msk.f32 $0xffff, v4;
	_ =	sdelay $0x1  }
0x94: {  	[tilespmem:$0x280] =	vst v9  }
0x95: {  	(v2sf) =	vpush v5, $0xF;
	v5, _, _ =	vpop (xrf0)  }
0x96: {  	v9 =	vbroadcast v5, $0xF;
	(v2sf) =	vpush v5, $0xF;
	_ =	sdelay $0x1  }
0x97: {  	vm0 =	veq.f32 v3, v9;
	(v2sf) =	vpush v7, $0xF;
	v3, _, _ =	vpop (xrf0)  }
0x98: {  	v5 =	vnsel vm0, $0x80000010, v1;
	v7 =	vbroadcast v3, $0xF;
	(v2sf) =	vpush v3, $0xF  }
0x99: {  	(xrf0) =	vmin.scan.msk.u32 $0xffff, v5  }
0x9a: {  	vm0 =	veq.f32 v4, v7  }
0x9b: {  	v3 =	vnsel vm0, $0x80000010, v1  }
0x9c: {  	(xrf0) =	vmin.scan.msk.u32 $0xffff, v3;
	_ =	sdelay $0x2  }
0x9d: {  	v3, _, _ =	vpop (xrf0)  }
0x9e: {  	(v2sf) =	vpush v3, $0xF;
	_ =	sdelay $0x1  }
0x9f: {  	v3, _, _ =	vpop (xrf0)  }
0xa0: {  	s13 =	spop (v2sf);
	(v2sf) =	vpush v3, $0xF  }
0xa1: {  	s14 =	spop (v2sf)  }
0xa2: {  	s13 =	sadd.f32 s14, s13  }
0xa3: {  	s14 =	spop (v2sf)  }
0xa4: {  	v3 =	vmov s13;
	s13 =	spop (v2sf)  }
0xa5: {  	s13 =	sadd.f32 s13, s14;
	_ =	sdelay $0x1  }
0xa6: {  	v4 =	vmov s13;
	_ =	sdelay $0x1  }
0xa7: {  	(erf) = vrcp.f32 v3;
	_ =	sdelay $0x1  }
0xa8: {  	(erf) = vrcp.f32 v4  }
0xa9: {  	s13 =	spop (v2sf)  }
0xaa: {  	s13 =	sxor.u32 $0x80000000, s13  }
0xab: {  	v3 =	vmov s13  }
0xac: {  	vm0 =	veq.s32 v3, v0;
	s13 =	spop (v2sf)  }
0xad: {  	v3 =	vnsel vm0, $0x0, v9;
	s13 =	sxor.u32 $0x80000000, s13  }
0xae: {  	v3 =	vadd.f32 v3, v6;
	v5 =	vmov s13  }
0xaf: {  	vm0 =	veq.s32 v5, v0;
	v4 =	vpop (erf)  }
0xb0: {  	v3 =	vmul.f32 v3, v4;
	v4 =	vnsel vm0, $0x0, v7  }
0xb1: {  	v4 =	vadd.f32 v4, v8;
	v5 =	vpop (erf)  }
0xb2: {  	[tilespmem:$0x100] =	vst v3  }
0xb3: {  	v3 =	vmul.f32 v4, v5;
	_ =	sdelay $0x1  }
0xb4: {  	[tilespmem:$0x180] =	vst v3  }
0xb5: {  	[hbm4b:s5+s2] =	stream.linear.scatter [tilespmem:s6], [sflag:$0x1], $0x100, $0x38;
	[tilespmem:$0x300] =	vst v63  }
0xb6: {  	_ = 	snop  }
0xb7: {  	[hbm4b:s7+s2] =	stream.linear.scatter [tilespmem:s9], [sflag:$0x1], $0x80, $0x38;
	[tilespmem:$0x300] =	vst v63  }
0xb8: {  	_ = 	snop  }
0xb9: {  	[hbm4b:s10+s2] =	stream.linear.scatter [tilespmem:s11], [sflag:$0x1], $0x80, $0x38;
	[tilespmem:$0x300] =	vst v63  }
.Ltmp1:
0xba: {  	_ =	swait.ge [sflag:s8], $0x100;
	(pc) =	sbr.rel @p0 .LBB2_1-.Ltmp1, $4  }
0xbb: {  	[sflag:s8] =	ssyncset.done $0x0  }
0xbc: {  	[sflag:s8] =	ssyncadd.s32 $0xFFFFFF00  }
0xbd: {  	_ =	swait.ge [sflag:s8], $0x80  }
0xbe: {  	[sflag:s8] =	ssyncset.done $0x0  }
.LBB2_2:
0xbf: {  	[sflag:s8] =	ssyncadd.s32 $0xFFFFFF80  }
0xc0: {  	_ =	swait.ge [sflag:s8], $0x80  }
0xc1: {  	[sflag:s8] =	ssyncset.done $0x0  }
0xc2: {  	[sflag:s8] =	ssyncadd.s32 $0xFFFFFF80  }
0xc3: {  	_ =	sfence.sel $0x180000  }
0xc4: {  	[bflag:$0x0] =	sbarrier.arrive $0xFFFF  }
0xc5: {  	p0 =	sne.s32 s0, $0x0;
	_ =	strace $0x90000047  }
0xc6: {  	s0 =	sadd.s32 @!p0 $0x100000, s1;
	[bflag:$0x2] =	sbarrier.arrive $0xFFFF  }
0xc7: {  	[sflag:s0] =	ssyncadd.tile.s32 @!p0 $0x1;
	_ =	shalt  }
.Lfunc_end2:
_tile_overlayer_lowered:
.L_overlay_start_2:
0xc8: {  	(tag) =	ssettag $0x2  }
0xc9: {  	s0 =	rddreg [dreg:$0x0];
	s2 =	stileid.u32  }
0xca: {  	s1 =	rddreg [dreg:$0x1];
	p0 =	sne.s32 s2, $0x0  }
0xcb: {  	s3 =	rddreg [dreg:$0x2];
	[bflag:$0x3] =	sbarrier.arrive $0xFFFF;
	s2 =	simm.s32 @!p0 $0x1C02  }
0xcc: {  	[timem:s3], [sflag:s2] =	dma.local @!p0 [hbm:s0], s1  }
0xcd: {  	s0 =	simm.s32 @!p0 $0x2  }
0xce: {  	_ =	swait.ge @!p0 [sflag:s0], s1  }
0xcf: {  	s1 =	ssub.s32 @!p0 $0x0, s1;
	[sflag:s0] =	ssyncset.done @!p0 $0x0  }
0xd0: {  	[sflag:s0] =	ssyncadd.s32 @!p0 s1  }
0xd1: {  	[bflag:$0x3] =	sbarrier.arrive $0xFFFF  }
0xd2: {  	_ =	shalt  }

</sc_bundles>
